<compile_context>
chip_gen: v7x
topology: tpu7x:2x2x1
jax: 0.10.2.dev20260603
libtpu: 0.0.44.dev20260713+nightly
codegen_flags: <defaults>
</compile_context>

<pallas_src>
import jax
import jax.numpy as jnp
from jax.experimental import pallas as pl
from jax.experimental.pallas import tpu as pltpu

B = 16
T = 4
P = 1025
H = 1280
R = 9


def _body(ids_ref, gate_ref, h_ref, emb_ref, o_ref):
    g = jnp.tanh(gate_ref[0])
    o_ref[...] = h_ref[...] + emb_ref[0] * g


def kernel(hidden_state, aspect_ratio_ids, embedding_weight, gate):
    ids = aspect_ratio_ids.astype(jnp.int32)
    h = hidden_state.reshape(B * T, P, H)
    emb = embedding_weight.reshape(R, T, 1, H)

    grid_spec = pltpu.PrefetchScalarGridSpec(
        num_scalar_prefetch=2,
        grid=(B * T,),
        in_specs=[
            pl.BlockSpec((1, P, H), lambda i, ids, gate: (i, 0, 0)),
            pl.BlockSpec((1, 1, 1, H), lambda i, ids, gate: (ids[i // T], i % T, 0, 0)),
        ],
        out_specs=pl.BlockSpec((1, P, H), lambda i, ids, gate: (i, 0, 0)),
    )

    out = pl.pallas_call(
        _body,
        grid_spec=grid_spec,
        out_shape=jax.ShapeDtypeStruct((B * T, P, H), jnp.float32),
    )(ids, gate, h, emb)
    return out.reshape(B, T, P, H)

# --- scband reference (transcript-rebuilt; emitter-appended) ---
"""Pipeline reference for scband-mllama-precomputed-aspect-ratio-embedding-30588757082128 (READ-ONLY COPY).

The authoritative reference and input builder live on the scoring server;
editing this copy changes nothing except your own understanding.
"""

import jax, jax.numpy as jnp
import numpy as np

MAX_NUM_TILES = 4
HIDDEN_SIZE = 1280
MAX_ASPECT_RATIO_ID = 8
NUM_PATCHES = 1025
BATCH = 16


def setup_inputs(seed: int = 0) -> dict:
    key = jax.random.key(seed)
    k1, k2, k3, k4 = jax.random.split(key, 4)
    hidden_state = jax.random.normal(k1, (BATCH, MAX_NUM_TILES, NUM_PATCHES, HIDDEN_SIZE), dtype=jnp.float32)
    aspect_ratio_ids = jax.random.randint(k2, (BATCH,), 0, MAX_ASPECT_RATIO_ID + 1, dtype=jnp.int64 if jax.config.jax_enable_x64 else jnp.int32)
    embedding_weight = jax.random.normal(k3, (MAX_ASPECT_RATIO_ID + 1, MAX_NUM_TILES * HIDDEN_SIZE), dtype=jnp.float32) * 0.02
    gate = jax.random.normal(k4, (1,), dtype=jnp.float32)
    return {"hidden_state": hidden_state, "aspect_ratio_ids": aspect_ratio_ids, "embedding_weight": embedding_weight, "gate": gate}


def reference(hidden_state, aspect_ratio_ids, embedding_weight, gate):
    gate_tanh = jnp.tanh(gate)
    embeddings = jnp.take(embedding_weight, aspect_ratio_ids, axis=0)
    embeddings = embeddings.reshape(-1, MAX_NUM_TILES, 1, HIDDEN_SIZE)
    embeddings = embeddings * gate_tanh
    return hidden_state + embeddings

if __name__ == "__main__":
    import jax
    _d = setup_inputs()
    print(jax.jit(kernel)(*tuple(_d.values())))

</pallas_src>

<mosaic_0001>
module attributes {stable_mosaic.version = 14 : i64} {
  func.func @_body(%arg0: i32, %arg1: memref<16xi32, #tpu.memory_space<smem>>, %arg2: memref<1xf32, #tpu.memory_space<smem>>, %arg3: memref<1x1025x1280xf32, #tpu.memory_space<vmem>>, %arg4: memref<1x1x1x1280xf32, #tpu.memory_space<vmem>>, %arg5: memref<1x1025x1280xf32, #tpu.memory_space<vmem>>) attributes {dimension_semantics = [#tpu.dimension_semantics<arbitrary>], iteration_bounds = array<i64: 64>, scalar_prefetch = 2 : i64, scratch_operands = 0 : i64, tpu.core_type = #tpu.core_type<tc>, window_params = [{transform_indices = @transform_0, window_bounds = array<i64: 1, 1025, 1280>}, {transform_indices = @transform_1, window_bounds = array<i64: 1, 1, 1, 1280>}, {transform_indices = @transform_2, window_bounds = array<i64: 1, 1025, 1280>}]} {
    %get3A = arith.constant 0 : index
    %get3A_0 = memref.load %arg2[%get3A] : memref<1xf32, #tpu.memory_space<smem>>
    %tanh3A = math.tanh %get3A_0 : f32
    %get3A_1 = arith.constant 0 : index
    %get3A_2 = arith.constant 0 : index
    %get3A_3 = arith.constant 0 : index
    %get3A_4 = vector.load %arg3[%get3A_1, %get3A_2, %get3A_3] : memref<1x1025x1280xf32, #tpu.memory_space<vmem>>, vector<1x1025x1280xf32>
    %get3A_5 = arith.constant 0 : index
    %get3A_6 = arith.constant 0 : index
    %get3A_7 = arith.constant 0 : index
    %get3A_8 = arith.constant 0 : index
    %get3A_9 = vector.load %arg4[%get3A_5, %get3A_6, %get3A_7, %get3A_8] : memref<1x1x1x1280xf32, #tpu.memory_space<vmem>>, vector<1x1x1x1280xf32>
    %get3A_10 = vector.shape_cast %get3A_9 : vector<1x1x1x1280xf32> to vector<1x1x1280xf32>
    %mul3A = vector.broadcast %tanh3A : f32 to vector<1x1x1280xf32>
    %mul3A_11 = arith.mulf %get3A_10, %mul3A : vector<1x1x1280xf32>
    %add3A = vector.broadcast %mul3A_11 : vector<1x1x1280xf32> to vector<1x1025x1280xf32>
    %add3A_12 = arith.addf %get3A_4, %add3A : vector<1x1025x1280xf32>
    %swap3A = arith.constant 0 : index
    %swap3A_13 = arith.constant 0 : index
    %swap3A_14 = arith.constant 0 : index
    %swap3A_15 = vector.load %arg5[%swap3A, %swap3A_13, %swap3A_14] : memref<1x1025x1280xf32, #tpu.memory_space<vmem>>, vector<1x1025x1280xf32>
    tpu.vector_store %arg5[%swap3A, %swap3A_13, %swap3A_14], %add3A_12 {strides = array<i32>} : memref<1x1025x1280xf32, #tpu.memory_space<vmem>>, vector<1x1025x1280xf32>,
    return
  }
  func.func @transform_0(%arg0: i32, %arg1: memref<16xi32, #tpu.memory_space<smem>>, %arg2: memref<1xf32, #tpu.memory_space<smem>>) -> (i32, i32, i32) {
    %c0_i32 = arith.constant 0 : i32
    %c0_i32_0 = arith.constant 0 : i32
    %c0_i32_1 = arith.constant 0 : i32
    return %arg0, %c0_i32, %c0_i32_0 : i32, i32, i32
  }
  func.func @transform_1(%arg0: i32, %arg1: memref<16xi32, #tpu.memory_space<smem>>, %arg2: memref<1xf32, #tpu.memory_space<smem>>) -> (i32, i32, i32, i32) {
    %jit3A = arith.constant 4 : i32
    %div3A = arith.divsi %arg0, %jit3A : i32
    %sign3A = arith.constant 0 : i32
    %sign3A_0 = arith.cmpi sgt, %arg0, %sign3A : i32
    %sign3A_1 = arith.extui %sign3A_0 : i1 to i32
    %sign3A_2 = arith.constant 0 : i32
    %sign3A_3 = arith.cmpi slt, %arg0, %sign3A_2 : i32
    %sign3A_4 = arith.extui %sign3A_3 : i1 to i32
    %sign3A_5 = arith.subi %sign3A_1, %sign3A_4 : i32
    %sign3A_6 = arith.constant 0 : i32
    %sign3A_7 = arith.cmpi sgt, %jit3A, %sign3A_6 : i32
    %sign3A_8 = arith.extui %sign3A_7 : i1 to i32
    %sign3A_9 = arith.constant 0 : i32
    %sign3A_10 = arith.cmpi slt, %jit3A, %sign3A_9 : i32
    %sign3A_11 = arith.extui %sign3A_10 : i1 to i32
    %sign3A_12 = arith.subi %sign3A_8, %sign3A_11 : i32
    %ne3A = arith.cmpi ne, %sign3A_5, %sign3A_12 : i32
    %rem3A = arith.remsi %arg0, %jit3A : i32
    %ne3A_13 = arith.constant 0 : i32
    %ne3A_14 = arith.cmpi ne, %rem3A, %ne3A_13 : i32
    %and3A = arith.andi %ne3A, %ne3A_14 : i1
    %sub3A = arith.constant 1 : i32
    %sub3A_15 = arith.subi %div3A, %sub3A : i32
    %select_n3A = arith.select %and3A, %sub3A_15, %div3A : i32
    %get3A = arith.index_cast %select_n3A : i32 to index
    %get3A_16 = memref.load %arg1[%get3A] : memref<16xi32, #tpu.memory_space<smem>>
    %jit3A_17 = arith.constant 4 : i32
    %eq3A = arith.constant 0 : i32
    %eq3A_18 = arith.cmpi eq, %jit3A_17, %eq3A : i32
    %jit3A_19 = arith.constant 1 : i32
    %select_n3A_20 = arith.select %eq3A_18, %jit3A_19, %jit3A_17 : i32
    %rem3A_21 = arith.remsi %arg0, %select_n3A_20 : i32
    %ne3A_22 = arith.constant 0 : i32
    %ne3A_23 = arith.cmpi ne, %rem3A_21, %ne3A_22 : i32
    %lt3A = arith.constant 0 : i32
    %lt3A_24 = arith.cmpi slt, %rem3A_21, %lt3A : i32
    %lt3A_25 = arith.constant 0 : i32
    %lt3A_26 = arith.cmpi slt, %select_n3A_20, %lt3A_25 : i32
    %ne3A_27 = arith.xori %lt3A_24, %lt3A_26 : i1
    %and3A_28 = arith.andi %ne3A_27, %ne3A_23 : i1
    %add3A = arith.addi %rem3A_21, %select_n3A_20 : i32
    %select_n3A_29 = arith.select %and3A_28, %add3A, %rem3A_21 : i32
    %c0_i32 = arith.constant 0 : i32
    %c0_i32_30 = arith.constant 0 : i32
    %c0_i32_31 = arith.constant 0 : i32
    return %get3A_16, %select_n3A_29, %c0_i32, %c0_i32_30 : i32, i32, i32, i32
  }
  func.func @transform_2(%arg0: i32, %arg1: memref<16xi32, #tpu.memory_space<smem>>, %arg2: memref<1xf32, #tpu.memory_space<smem>>) -> (i32, i32, i32) {
    %c0_i32 = arith.constant 0 : i32
    %c0_i32_0 = arith.constant 0 : i32
    %c0_i32_1 = arith.constant 0 : i32
    return %arg0, %c0_i32, %c0_i32_0 : i32, i32, i32
  }
}

</mosaic_0001>

<sc_bundles>
// kernel: sparse-core-data-format-call.cloned.1.call-start
scs
called_computation_lowered:
.L_overlay_start_0:
0x0: {  	s2 =	sld [smem:$0x3FD9]  }
0x1: {  	s3 =	sld [smem:$0x3FFE];
	_ =	sdelay $0x1  }
0x2: {  	s1 =	srdreg.scid  }
0x3: {  	s0 =	sand.u32 $0x1, s1  }
0x4: {  	s18 =	sshll.u32 s0, $0xA;
	s2 =	sadd.s32 s3, s2  }
0x5: {  	s2 =	sadd.s32 s2, s18  }
0x6: {  	[smem:$0x3FC4] =	sst s2  }
0x7: {  	_ = 	snop  }
0x8: {  	s2 =	sld [smem:$0x3FD0];
	(tm) =	ssettm $0x1  }
0x9: {  	s19 =	sld [smem:$0x3FFB];
	_ =	sdelay $0x3  }
0xa: {  	_ =	strace s19  }
0xb: {  	s3 =	sld [smem:$0x3FFC];
	_ =	sdelay $0x3  }
0xc: {  	_ =	strace s3  }
0xd: {  	s3 =	sld [smem:$0x3FFD];
	_ =	sdelay $0x3  }
0xe: {  	_ =	strace s3  }
0xf: {  	_ =	strace $0x8FFFFFFF  }
0x10: {  	s20 =	sld [smem:$0x3FDB];
	_ =	sdelay $0x1  }
0x11: {  	s4 =	simm.s32 $_scs_section_size  }
0x12: {  	s5 =	simm.s32 $_size__tile_overlayer_lowered;
	s6 =	simm.s32 $_tile_overlayer_lowered  }
0x13: {  	s23 =	simm.s32 $0x1BFF;
	s22 =	sshll.u32 s6, $0x1;
	s3 =	sadd.s32 s4, s20  }
0x14: {  	s7 =	simm.s32 $0x0;
	s21 =	sshll.u32 s5, $0x1;
	s5 =	sadd.s32 s22, s3  }
0x15: {  	[timem:s7], [sflag:s23] =	dma.local [hbm:s5], s21  }
0x16: {  	_ =	swait.ge [sflag:s23], s21  }
0x17: {  	s4 =	ssub.s32 $0x0, s21;
	[sflag:s23] =	ssyncset.done $0x0  }
0x18: {  	[sflag:s23] =	ssyncadd.s32 s4;
	_ =	sdelay $0x1  }
0x19: {  	s24 =	simm.s32 $0x1B8B  }
0x1a: {  	_ =	swait.ge [sflag:s24], $0x1  }
0x1b: {  	[sflag:s24] =	ssyncset.done $0x0  }
0x1c: {  	s26 =	simm.s32 $0x1B8E;
	s25 =	sld [smem:$0x3FFE];
	[sflag:s24] =	ssyncadd.s32 $0xFFFFFFFF  }
0x1d: {  	s27 =	simm.s32 $execute0_lowered;
	[smem:$0x3FD2] =	sst s26  }
0x1e: {  	s5 =	sshll.u32 s27, $0x1;
	_ =	strace $0x80000046;
	[dreg:$0x1] =	wrdreg $0xFFFFFFFF  }
0x1f: {  	s28 =	simm.s32 $_size_execute0_lowered;
	s3 =	sadd.s32 s3, s5;
	[dreg:$0x0] =	wrdreg $0x0  }
0x20: {  	s5 =	sshll.u32 s28, $0x1;
	[dreg:$0x2] =	wrdreg s3  }
0x21: {  	[dreg:$0x3] =	wrdreg s5  }
0x22: {  	[dreg:$0x4] =	wrdreg $0xC0  }
0x23: {  	_ =	task [dreg:s7], $0x5FFFF  }
0x24: {  	[dreg:$0x1] =	wrdreg $0xFFFFFFFF  }
0x25: {  	[dreg:$0x0] =	wrdreg $0x60  }
0x26: {  	[dreg:$0x2] =	wrdreg s25  }
0x27: {  	[dreg:$0x3] =	wrdreg s2  }
0x28: {  	[dreg:$0x4] =	wrdreg $0x9  }
0x29: {  	_ =	task.clear_ibuf [dreg:s7], $0x5FFFF;
	_ =	strace $0x90000046  }
0x2a: {  	s29 =	simm.s32 $0x9;
	_ =	strace $0x80000048  }
0x2b: {  	_ =	swait.ge [sflag:s29], $0x1  }
0x2c: {  	[sflag:s29] =	ssyncadd.s32 $0xFFFFFFFF  }
0x2d: {  	_ =	strace $0x90000048  }
0x2e: {  	_ =	sfence  }
0x2f: {  	s30 =	sld [smem:$0x0];
	_ =	sdelay $0x2  }
0x30: {  	s31 =	sshll.u32 s1, $0xD;
	s1 =	sshrl.u32 s1, $0x2  }
0x31: {  	s3 =	sand.u32 $0x4000, s31;
	s1 =	sadd.s32 s1, s30  }
0x32: {  	s0 =	sor.u32 s3, s0;
	s1 =	sshll.u32 s1, $0x11  }
0x33: {  	s0 =	sor.u32 s1, s0  }
0x34: {  	s0 =	sadd.s32 $0x8F2B, s0  }
0x35: {  	[sflag:s0] =	ssyncadd.remote.s32 $0x1  }
0x36: {  	_ =	sfence.sel $0xFFFF  }
0x37: {  	[dreg:$0x0] =	wrdreg $0xFFFFFFFF;
	(pc) =	sbr.abs _section_cstart, $3  }
0x38: {  	[dreg:$0x1] =	wrdreg $0xFFFFFFFF  }
0x39: {  	_ =	task.clear_ibuf [dreg:s7], $0x2FFFF;
	_ =	strace $0x9FFFFFFF  }
0x3a: {  	(tm) =	ssettm $0x7FFFFFFF  }
0x3b: {  	_ =	shalt  }
tec
execute0_lowered:
.L_overlay_start_1:
0x0: {  	(tag) =	ssettag $0x1  }
0x1: {  	s0 =	srdreg.scid;
	s1 =	rddreg [dreg:$0x0];
	_ =	strace $0x80000047  }
0x2: {  	s3 =	simm.s32 $0x1;
	s30 =	simm.s32 $0x2;
	s9 =	stileid.u32  }
0x3: {  	s24 =	simm.s32 $0x0;
	s21 =	simm.s32 $0x0;
	s20 =	simm.s32 $0x0  }
0x4: {  	s22 =	simm.s32 $0x0;
	s10 =	simm.s32 $0x0;
	s8 =	sand.u32 $0x1, s0  }
0x5: {  	s11 =	simm.s32 $0x0;
	s12 =	simm.s32 $0x0;
	s0 =	ssub.s32 $0x4, s8  }
0x6: {  	s23 =	simm.s32 $0x0;
	s13 =	simm.s32 $0x0;
	s2 =	sshrl.u32 s0, $0x1  }
.Ltmp0:
0x7: {  	s31 =	sadd.s32 $0xA14800, s1;
	s0 =	ssub.s32 s0, s2;
	(pc) =	sbr.rel .LBB1_1-.Ltmp0, $4  }
0x8: {  	s15 =	simm.s32 $0x0;
	[dreg:$0x5] =	wrdreg s31;
	s14 =	smul.u32 $0x5A, s0  }
0x9: {  	s17 =	stileid.u32;
	s18 =	simm.s32 $0x0;
	[dreg:$0x3] =	wrdreg s8  }
0xa: {  	[sflag:s3] =	ssyncpa.u1 $0x0;
	s19 =	sor.u32 $0x1, s14;
	[dreg:$0x4] =	wrdreg s14  }
0xb: {  	[sflag:s30] =	ssyncpa.u1 $0x0;
	s16 =	smov.u32 s8;
	[dreg:$0x6] =	wrdreg s19  }
.LBB1_18:
0xc: {  	s0 =	sshrl.u32 s12, $0x2  }
0xd: {  	s1 =	sshll.u32 s10, $0x2;
	s0 =	smul.u32 $0x1400, s0  }
0xe: {  	s2 =	sshll.u32 s12, $0x7;
	s14 =	sand.u32 $0x7F, s10;
	s1 =	sand.u32 $0xFFFFFE00, s1  }
0xf: {  	p0 =	sgt.s32 s11, $0x381;
	s0 =	sadd.s32 s0, s1;
	s1 =	smov.u32 s11  }
0x10: {  	s4 =	rddreg [dreg:$0xa];
	s9 =	sand.u32 $0x180, s2;
	s1 =	simm.s32 @!p0 $0x381  }
0x11: {  	s19 =	rddreg [dreg:$0x9];
	s0 =	sor.u32 s9, s0;
	s1 =	sadd.s32 s4, s1  }
0x12: {  	s5 =	smul.u32 $0x280, s11;
	s2 =	sor.u32 s14, s0;
	s4 =	sadd.s32 $0xFFFFFC7F, s1  }
0x13: {  	s3 =	smulhi.u32 $0xCCCCCCCD, s2;
	s1 =	ssub.s32 $0x401, s1;
	p0 =	sgt.s32 s4, $0x7F  }
0x14: {  	s23 =	rddreg [dreg:$0xb];
	s0 =	smulhi.u32 $0xCCCCCCCD, s0;
	s1 =	simm.s32 @p0 $0x0  }
0x15: {  	s25 =	rddreg [dreg:$0x1];
	s3 =	sshrl.u32 s3, $0xA;
	s1 =	smul.u32 s1, s19  }
0x16: {  	s29 =	sor.u32 $0x8000, s26;
	s8 =	rddreg [dreg:$0x3];
	s3 =	smul.u32 $0x500, s3  }
0x17: {  	s0 =	sshrl.u32 s0, $0xA;
	s1 =	smul.u32 s23, s1;
	s23 =	rddreg [dreg:$0x7]  }
0x18: {  	s9 =	stileid.u32;
	s0 =	sand.u32 $0x3, s0;
	s24 =	smul.u32 $0xA0280, s23  }
0x19: {  	s31 =	simm.s32 $0x1400;
	s14 =	rddreg [dreg:$0x4];
	s0 =	smul.u32 $0xA0, s0  }
0x1a: {  	s19 =	rddreg [dreg:$0x6];
	s2 =	ssub.s32 s2, s3;
	s3 =	sadd.s32 s25, s24  }
0x1b: {  	s27 =	sand.u32 $0x7, s2;
	s2 =	sshrl.u32 s2, $0x3;
	s3 =	sadd.s32 s5, s3  }
0x1c: {  	s1 =	sand.u32 $0x3FFFFFFF, s1;
	s28 =	sshll.u32 s27, $0x12;
	s0 =	sadd.s32 s0, s3  }
0x1d: {  	s30 =	sor.u32 $0x80, s28;
	s24 =	rddreg [dreg:$0x8];
	s0 =	sadd.s32 s2, s0  }
0x1e: {  	[hbm4b:s0+s30] =	stream.strided.scatter [tilespmem:s29], [sflag:$0x2], s1, s31, s30, $0x38;
	[tilespmem:$0x10000] =	vst v63  }
.LBB1_19:
0x1f: {  	p0 =	slt.u32 s18, $0x2  }
0x20: {  	s0 =	smov.u32 s22;
	s5 =	smov.u32 s15;
	p1 =	sgt.s32 @!p0 s22, $0xF  }
0x21: {  	s1 =	sshra.s32 @!p0 s22, $0x1F;
	p2 =	sgt.s32 @!p0 s21, $0x381;
	p1 =	por !p1, p0  }
0x22: {  	s2 =	sshra.s32 @!p0 s21, $0x1F;
	s1 =	sand.u32 @!p0 s1, s22;
	s0 =	simm.s32 @p1 $0xF  }
0x23: {  	s3 =	sshra.s32 @!p0 s20, $0x1F;
	p2 =	por !p2, p0;
	s0 =	ssub.s32 @!p0 s0, s1  }
0x24: {  	s2 =	sand.u32 @!p0 s2, s21;
	s3 =	sand.u32 @!p0 s3, s20;
	s1 =	sadd.s32 @!p0 $0xFFFFFFF1, s0  }
0x25: {  	s22 =	smov.u32 s23;
	p1 =	sgt.s32 @!p0 s1, $0x0;
	s1 =	smov.u32 s21  }
0x26: {  	s23 =	smov.u32 s17;
	s0 =	ssub.s32 @!p0 $0x10, s0;
	s1 =	simm.s32 @p2 $0x381  }
0x27: {  	p1 =	por !p1, p0;
	p2 =	sgt.s32 @!p0 s20, $0x3;
	s1 =	ssub.s32 @!p0 s1, s2  }
0x28: {  	p2 =	por !p2, p0;
	s2 =	smov.u32 s20;
	s0 =	simm.s32 @!p1 $0x0  }
0x29: {  	p1 =	sgt.s32 @!p0 s24, $0x480;
	s2 =	simm.s32 @p2 $0x3;
	s4 =	sadd.s32 @!p0 $0xFFFFFC7F, s1  }
0x2a: {  	p1 =	por !p1, p0;
	s1 =	ssub.s32 @!p0 $0x401, s1;
	s2 =	ssub.s32 @!p0 s2, s3  }
0x2b: {  	p2 =	sgt.s32 @!p0 s4, $0x7F;
	s4 =	smov.u32 s24;
	s3 =	sadd.s32 @!p0 $0xFFFFFFFD, s2  }
0x2c: {  	s4 =	simm.s32 @p1 $0x480;
	p1 =	sgt.s32 @!p0 s3, $0x0;
	s3 =	sshra.s32 @!p0 s24, $0x1F  }
0x2d: {  	s2 =	ssub.s32 @!p0 $0x4, s2;
	s3 =	sand.u32 @!p0 s3, s24;
	p1 =	por !p1, p0  }
0x2e: {  	p2 =	por !p2, p0;
	s3 =	ssub.s32 @!p0 s4, s3;
	s2 =	simm.s32 @!p1 $0x0  }
0x2f: {  	s1 =	simm.s32 @!p2 $0x0;
	s4 =	sadd.s32 @!p0 $0xFFFFFB80, s3;
	s0 =	smul.u32 @!p0 s0, s2  }
0x30: {  	s2 =	sadd.s32 $0x80, s13;
	s3 =	ssub.s32 @!p0 $0x500, s3;
	p1 =	sgt.s32 @!p0 s4, $0x7F  }
0x31: {  	p2 =	sgt.s32 s2, $0x4FF;
	s4 =	sadd.s32 $0x80, s15;
	p1 =	por !p1, p0  }
0x32: {  	s0 =	smul.u32 @!p0 s1, s0;
	s5 =	smov.u32 @p2 s4;
	s1 =	sadd.s32 $0x2, s16  }
0x33: {  	s4 =	smov.u32 s16;
	s3 =	simm.s32 @!p1 $0x0;
	p1 =	sgt.s32 s5, $0x400  }
0x34: {  	s2 =	simm.s32 @p2 $0x0;
	s0 =	smul.u32 @!p0 s3, s0;
	s4 =	smov.u32 @p1 s1  }
0x35: {  	s1 =	sadd.s32 $0x10, s17;
	s3 =	smov.u32 s17;
	p2 =	sgt.s32 s4, $0x3  }
0x36: {  	s21 =	smov.u32 s11;
	s11 =	smov.u32 s15;
	s3 =	smov.u32 @p2 s1  }
0x37: {  	s20 =	smov.u32 s12;
	s5 =	simm.s32 @p1 $0x0;
	p1 =	sgt.s32 s3, $0xF  }
0x38: {  	s12 =	smov.u32 s16;
	s3 =	smov.u32 @p1 s9;
	p1 =	sne.s32 s18, s19  }
.Ltmp1:
0x39: {  	s24 =	smov.u32 s10;
	s10 =	smov.u32 s13;
	(pc) =	sbr.rel @!p1 .LBB1_20-.Ltmp1, $4  }
0x3a: {  	s13 =	smov.u32 s2;
	s0 =	sand.u32 @!p0 $0x3FFFFFFF, s0;
	s1 =	simm.s32 @!p0 $0x2  }
0x3b: {  	s15 =	smov.u32 s5;
	s4 =	smov.u32 @p2 s8;
	_ =	swait.ge @!p0 [sflag:s1], s0  }
0x3c: {  	s0 =	ssub.s32 @!p0 $0x0, s0;
	s16 =	smov.u32 s4;
	[sflag:s1] =	ssyncset.done @!p0 $0x0  }
0x3d: {  	s18 =	sadd.s32 $0x1, s18;
	[sflag:s1] =	ssyncadd.s32 @!p0 s0;
	s17 =	smov.u32 s3  }
.LBB1_1:
0x3e: {  	p0 =	sge.u32 s18, s14  }
.Ltmp2:
0x3f: {  	_ = 	snop;
	(pc) =	sbr.rel @p0 .LBB1_3-.Ltmp2, $1  }
0x40: {  	_ =	sdelay $0x3  }
0x41: {  	s0 =	sshrl.u32 s15, $0x3  }
0x42: {  	s1 =	sshll.u32 s13, $0x3;
	s0 =	smul.u32 $0x2800, s0  }
0x43: {  	s2 =	sshll.u32 s15, $0x7;
	s1 =	sand.u32 $0xFFFFFC00, s1  }
0x44: {  	s6 =	sand.u32 $0x380, s2;
	s0 =	sadd.s32 s0, s1  }
0x45: {  	s7 =	sand.u32 $0x7F, s13;
	p0 =	sgt.s32 s17, $0xF;
	s0 =	sor.u32 s6, s0  }
0x46: {  	s3 =	smov.u32 s17;
	s4 =	sshra.s32 s17, $0x1F;
	s1 =	sor.u32 s7, s0  }
0x47: {  	s5 =	sxor.u32 $0xFFFFFFFF, s18;
	s27 =	sshra.s32 s16, $0x1F;
	s2 =	smulhi.u32 $0xCCCCCCCD, s1  }
0x48: {  	s30 =	sshra.s32 s13, $0x1F;
	s3 =	simm.s32 @!p0 $0xF;
	s4 =	sand.u32 s4, s17  }
0x49: {  	s25 =	sshll.u32 s5, $0xE;
	s3 =	ssub.s32 s3, s4;
	s2 =	sshrl.u32 s2, $0xA  }
0x4a: {  	s5 =	sand.u32 s27, s16;
	s26 =	sadd.s32 $0xFFFFFFF1, s3;
	s2 =	smul.u32 $0x500, s2  }
0x4b: {  	p0 =	sgt.s32 s26, $0x0;
	s6 =	sshra.s32 s15, $0x1F;
	s26 =	rddreg [dreg:$0x5]  }
0x4c: {  	s0 =	smulhi.u32 $0xCCCCCCCD, s0;
	s1 =	ssub.s32 s1, s2;
	s2 =	ssub.s32 $0x10, s3  }
0x4d: {  	s3 =	smov.u32 s16;
	s2 =	simm.s32 @p0 $0x0;
	p0 =	sgt.s32 s16, $0x3  }
0x4e: {  	s6 =	sand.u32 s6, s15;
	s0 =	sshrl.u32 s0, $0xA;
	s3 =	simm.s32 @!p0 $0x3  }
0x4f: {  	p0 =	sgt.s32 s15, $0x388;
	s3 =	ssub.s32 s3, s5;
	s5 =	smov.u32 s15  }
0x50: {  	s28 =	smulhi.u32 $0x3F80FF, s0;
	s7 =	sadd.s32 $0xFFFFFFFD, s3;
	s5 =	simm.s32 @!p0 $0x388  }
0x51: {  	s3 =	ssub.s32 $0x4, s3;
	p0 =	sgt.s32 s7, $0x0;
	s5 =	ssub.s32 s5, s6  }
0x52: {  	s6 =	smul.u32 $0x408, s28;
	s3 =	simm.s32 @p0 $0x0;
	s29 =	sadd.s32 $0xFFFFFC78, s5  }
0x53: {  	s2 =	smul.u32 s2, s3;
	p0 =	sgt.s32 s29, $0x7F;
	s3 =	ssub.s32 $0x408, s5  }
0x54: {  	s5 =	smov.u32 s13;
	s3 =	simm.s32 @p0 $0x0;
	p0 =	sgt.s32 s13, $0x480  }
0x55: {  	s7 =	sand.u32 s30, s13;
	s28 =	sand.u32 $0x7, s1;
	s5 =	simm.s32 @!p0 $0x480  }
0x56: {  	s0 =	ssub.s32 s0, s6;
	s2 =	smul.u32 s3, s2;
	s31 =	ssub.s32 s5, s7  }
0x57: {  	s3 =	sand.u32 $0x4000, s25;
	s7 =	smul.u32 $0xA1400, s17;
	s5 =	sadd.s32 $0xFFFFFB80, s31  }
0x58: {  	s25 =	smul.u32 $0x28500, s16;
	s4 =	ssub.s32 $0x500, s31;
	p0 =	sgt.s32 s5, $0x7F  }
0x59: {  	s0 =	smul.u32 $0xA0, s0;
	s6 =	sadd.s32 s26, s7;
	s4 =	simm.s32 @p0 $0x0  }
0x5a: {  	s29 =	sshll.u32 s28, $0x12;
	s27 =	sadd.s32 s25, s6;
	s2 =	smul.u32 s4, s2  }
0x5b: {  	s1 =	sshrl.u32 s1, $0x3;
	s30 =	sor.u32 $0x400, s29;
	s0 =	sadd.s32 s0, s27  }
0x5c: {  	s31 =	simm.s32 $0x2800;
	s0 =	sadd.s32 s1, s0;
	s2 =	sand.u32 $0x3FFFFFFF, s2  }
0x5d: {  	[tilespmem:s3], [sflag:$0x1] =	stream.strided.gather [hbm4b:s0+s30], s2, s31, s30, $0x38;
	[tilespmem:$0x10000] =	vst v63  }
.LBB1_3:
0x5e: {  	s0 =	sadd.s32 $0xFFFFFFFF, s18  }
0x5f: {  	p0 =	sge.u32 s0, s14  }
.Ltmp3:
0x60: {  	_ = 	snop;
	(pc) =	sbr.rel @p0 .LBB1_19-.Ltmp3, $1  }
0x61: {  	_ =	sdelay $0x3  }
0x62: {  	p0 =	sgt.s32 s23, $0xF  }
0x63: {  	s0 =	smov.u32 s23;
	s1 =	sshra.s32 s23, $0x1F;
	s2 =	smov.u32 s12  }
0x64: {  	s3 =	sshra.s32 s12, $0x1F;
	s7 =	ssub.s32 $0x0, s11;
	s8 =	sshra.s32 s11, $0x1F  }
0x65: {  	p2 =	sgt.s32 s11, $0x388;
	s4 =	smov.u32 s11;
	s19 =	sshra.s32 s10, $0x1F  }
0x66: {  	s0 =	simm.s32 @!p0 $0xF;
	p0 =	sgt.s32 s12, $0x3;
	s1 =	sand.u32 s1, s23  }
0x67: {  	s3 =	sand.u32 s3, s12;
	s2 =	simm.s32 @!p0 $0x3;
	s0 =	ssub.s32 s0, s1  }
0x68: {  	s4 =	simm.s32 @!p2 $0x388;
	s5 =	ssub.s32 s2, s3;
	s6 =	sadd.s32 $0xFFFFFFF1, s0  }
0x69: {  	s0 =	ssub.s32 $0x10, s0;
	s2 =	sand.u32 s7, s8;
	s3 =	sadd.s32 $0xFFFFFFFD, s5  }
0x6a: {  	p0 =	sgt.s32 s6, $0x0;
	s1 =	ssub.s32 $0x4, s5;
	[dreg:$0xa] =	wrdreg s2  }
0x6b: {  	s2 =	sadd.s32 s2, s4;
	p1 =	sgt.s32 s3, $0x0;
	s0 =	simm.s32 @p0 $0x0  }
0x6c: {  	s14 =	sadd.s32 $0xFFFFFC78, s2;
	s2 =	ssub.s32 $0x408, s2;
	s1 =	simm.s32 @p1 $0x0  }
0x6d: {  	p1 =	sgt.s32 s10, $0x480;
	s9 =	smul.u32 s0, s1;
	s0 =	smov.u32 s10  }
0x6e: {  	p0 =	sgt.s32 s14, $0x7F;
	s1 =	sand.u32 s19, s10;
	s0 =	simm.s32 @!p1 $0x480  }
0x6f: {  	s2 =	simm.s32 @p0 $0x0;
	s0 =	ssub.s32 s0, s1  }
0x70: {  	[dreg:$0x8] =	wrdreg s24;
	s24 =	smul.u32 s2, s9;
	s25 =	sadd.s32 $0xFFFFFB80, s0  }
0x71: {  	s3 =	ssub.s32 $0x500, s0;
	s0 =	sadd.s32 $0x1, s23;
	p0 =	sgt.s32 s25, $0x7F  }
0x72: {  	s2 =	sadd.s32 $0x1, s12;
	s3 =	simm.s32 @p0 $0x0;
	p0 =	slt.s32 s0, $0x10  }
0x73: {  	s0 =	simm.s32 @!p0 $0x10;
	p0 =	slt.s32 s2, $0x4  }
0x74: {  	s27 =	ssub.s32 s0, s23;
	s2 =	simm.s32 @!p0 $0x4;
	s0 =	sadd.s32 $0x80, s11  }
0x75: {  	s28 =	ssub.s32 s2, s12;
	p1 =	slt.s32 s0, $0x401;
	p0 =	slt.s32 s27, $0x1  }
0x76: {  	s0 =	simm.s32 @!p1 $0x401;
	p1 =	slt.s32 @!p0 s28, $0x1  }
0x77: {  	s29 =	ssub.s32 s0, s11;
	p1 =	por p0, p1  }
0x78: {  	p2 =	slt.s32 @!p1 s29, $0x1  }
0x79: {  	[dreg:$0x7] =	wrdreg s23;
	s1 =	smul.u32 s3, s24;
	p1 =	por p1, p2  }
.Ltmp4:
0x7a: {  	[dreg:$0x9] =	wrdreg s9;
	(pc) =	sbr.rel @p1 .LBB1_18-.Ltmp4, $4  }
0x7b: {  	s30 =	simm.s32 $0x1;
	[dreg:$0xb] =	wrdreg s3;
	s1 =	sand.u32 $0x3FFFFFFF, s1  }
0x7c: {  	_ =	swait.ge [sflag:s30], s1  }
0x7d: {  	s31 =	sshll.u32 s18, $0xE;
	s26 =	ssub.s32 $0x0, s1;
	[sflag:s30] =	ssyncset.done $0x0  }
0x7e: {  	[sflag:s30] =	ssyncadd.s32 s26;
	s26 =	sand.u32 $0x4000, s31  }
0x7f: {  	s0 =	sadd.s32 $0x80, s10  }
0x80: {  	p1 =	slt.s32 s0, $0x500  }
.Ltmp5:
0x81: {  	s0 =	simm.s32 @!p1 $0x500;
	(pc) =	sbr.rel .LBB1_6-.Ltmp5, $4  }
0x82: {  	s0 =	ssub.s32 s0, s10  }
0x83: {  	s8 =	simm.s32 $0x0;
	s1 =	sadd.s32 $0xF, s0;
	s0 =	sor.u32 @!p0 $0x8000, s26  }
0x84: {  	s30 =	sand.u32 $0xFFFFFFF0, s1;
	s2 =	sshll.u32 s1, $0x3;
	s31 =	sand.u32 @!p0 $0xFFFFFF00, s1  }
0x85: {  	p0 =	slt.s32 s1, $0x100;
	s2 =	sand.u32 $0xFFFFF800, s2;
	p1 =	sge.s32 s31, s30  }
.LBB1_17:
0x86: {  	s8 =	sadd.s32 $0x1, s8  }
0x87: {  	p2 =	sne.s32 s8, s27  }
.Ltmp6:
0x88: {  	_ = 	snop;
	(pc) =	sbr.rel @!p2 .LBB1_18-.Ltmp6, $1  }
0x89: {  	_ =	sdelay $0x3  }
.LBB1_6:
.Ltmp7:
0x8a: {  	(pc) =	sbr.rel .LBB1_7-.Ltmp7, $4  }
0x8b: {  	_ = 	snop  }
0x8c: {  	s1 =	sshll.u32 s8, $0x10  }
0x8d: {  	s1 =	sshra.s32 s1, $0x2  }
0x8e: {  	s3 =	simm.s32 $0x0;
	s9 =	sadd.s32 s1, s0  }
.LBB1_16:
0x8f: {  	s3 =	sadd.s32 $0x1, s3  }
0x90: {  	p2 =	sne.s32 s3, s28  }
.Ltmp8:
0x91: {  	_ = 	snop;
	(pc) =	sbr.rel @!p2 .LBB1_17-.Ltmp8, $1  }
0x92: {  	_ =	sdelay $0x3  }
.LBB1_7:
.Ltmp9:
0x93: {  	(pc) =	sbr.rel .LBB1_8-.Ltmp9, $4  }
0x94: {  	s1 =	sadd.s32 s8, s3  }
0x95: {  	s4 =	sshll.u32 s3, $0x7;
	s1 =	sshll.u32 s1, $0x10  }
0x96: {  	s7 =	simm.s32 $0x0;
	s25 =	sand.u32 $0x180, s4;
	s1 =	sshra.s32 s1, $0x2  }
0x97: {  	s4 =	sadd.s32 s25, s9;
	s6 =	sadd.s32 s1, s26;
	s1 =	simm.s32 $0x400  }
.LBB1_15:
0x98: {  	s7 =	sadd.s32 $0x1, s7  }
0x99: {  	p2 =	sne.s32 s7, s29  }
.Ltmp10:
0x9a: {  	_ = 	snop;
	(pc) =	sbr.rel @!p2 .LBB1_16-.Ltmp10, $2  }
0x9b: {  	_ =	sdelay $0x2  }
0x9c: {  	s1 =	sadd.s32 $0x80, s1  }
.LBB1_8:
.Ltmp11:
0x9d: {  	(pc) =	sbr.rel @p0 .LBB1_12-.Ltmp11, $2  }
0x9e: {  	_ =	sdelay $0x2  }
0x9f: {  	s5 =	sshll.u32 s7, $0x7  }
0xa0: {  	s19 =	sand.u32 $0x380, s5  }
0xa1: {  	s19 =	sadd.s32 s19, s6  }
0xa2: {  	v0 =	vmov s19;
	_ =	sdelay $0x3  }
0xa3: {  	s24 =	sand.u32 $0x3C00, s1  }
0xa4: {  	v7 =	vld.idx.msk [tilespmem:v0+s24+$0x70 ss:$0x1], $0xffff  }
0xa5: {  	p2 =	sgt.s32 s31, $0x100;
	v6 =	vld.idx.msk [tilespmem:v0+s24+$0x0 ss:$0x1], $0xffff  }
.Ltmp12:
0xa6: {  	v1 =	vld.idx.msk [tilespmem:v0+s24+$0x10 ss:$0x1], $0xffff;
	(pc) =	sbr.rel @!p2 .LBB1_11-.Ltmp12, $4  }
0xa7: {  	v2 =	vld.idx.msk [tilespmem:v0+s24+$0x20 ss:$0x1], $0xffff  }
0xa8: {  	v3 =	vld.idx.msk [tilespmem:v0+s24+$0x30 ss:$0x1], $0xffff  }
0xa9: {  	s23 =	sadd.s32 s5, s4;
	v4 =	vld.idx.msk [tilespmem:v0+s24+$0x40 ss:$0x1], $0xffff  }
0xaa: {  	s25 =	simm.s32 $0x100;
	s19 =	sadd.s32 $0x800, s1;
	v5 =	vld.idx.msk [tilespmem:v0+s24+$0x50 ss:$0x1], $0xffff;
	[tilespmem:s23+$0x70] =	vst v7  }
.LBB1_10:
0xab: {  	s25 =	sadd.s32 $0x100, s25;
	[tilespmem:s23+$0x0] =	vst v6;
	v7 =	vld.idx.msk [tilespmem:v0+s24+$0x60 ss:$0x1], $0xffff;
	s24 =	sand.u32 $0x3C00, s19  }
0xac: {  	v8 =	vld.idx.msk [tilespmem:v0+s24+$0x70 ss:$0x1], $0xffff;
	p2 =	slt.s32 s25, s31;
	[tilespmem:s23+$0x10] =	vst v1  }
0xad: {  	v6 =	vld.idx.msk [tilespmem:v0+s24+$0x0 ss:$0x1], $0xffff;
	[tilespmem:s23+$0x20] =	vst v2  }
.Ltmp13:
0xae: {  	v1 =	vld.idx.msk [tilespmem:v0+s24+$0x10 ss:$0x1], $0xffff;
	[tilespmem:s23+$0x30] =	vst v3;
	(pc) =	sbr.rel @p2 .LBB1_10-.Ltmp13, $4  }
0xaf: {  	v2 =	vld.idx.msk [tilespmem:v0+s24+$0x20 ss:$0x1], $0xffff;
	[tilespmem:s23+$0x40] =	vst v4  }
0xb0: {  	v3 =	vld.idx.msk [tilespmem:v0+s24+$0x30 ss:$0x1], $0xffff;
	[tilespmem:s23+$0x50] =	vst v5  }
0xb1: {  	v4 =	vld.idx.msk [tilespmem:v0+s24+$0x40 ss:$0x1], $0xffff;
	[tilespmem:s23+$0x60] =	vst v7  }
0xb2: {  	s19 =	sadd.s32 $0x800, s19;
	v5 =	vld.idx.msk [tilespmem:v0+s24+$0x50 ss:$0x1], $0xffff;
	[tilespmem:s23+$0x70] =	vst v8  }
.LBB1_11:
0xb3: {  	_ =	sdelay $0x2  }
0xb4: {  	[tilespmem:s23+$0x0] =	vst v6  }
0xb5: {  	v0 =	vld.idx.msk [tilespmem:v0+s24+$0x60 ss:$0x1], $0xffff;
	[tilespmem:s23+$0x10] =	vst v1  }
0xb6: {  	[tilespmem:s23+$0x20] =	vst v2  }
0xb7: {  	[tilespmem:s23+$0x30] =	vst v3  }
0xb8: {  	[tilespmem:s23+$0x40] =	vst v4  }
0xb9: {  	[tilespmem:s23+$0x50] =	vst v5  }
0xba: {  	[tilespmem:s23+$0x60] =	vst v0  }
.LBB1_12:
.Ltmp14:
0xbb: {  	(pc) =	sbr.rel @p1 .LBB1_15-.Ltmp14, $1  }
0xbc: {  	_ =	sdelay $0x3  }
0xbd: {  	s19 =	sshll.u32 s7, $0x9  }
0xbe: {  	s19 =	sshra.s32 s19, $0x2  }
0xbf: {  	s23 =	sand.u32 $0x380, s5;
	s24 =	sadd.s32 s19, s4  }
0xc0: {  	s19 =	sadd.s32 s23, s6;
	s23 =	smov.u32 s2;
	v0 =	vmov s24;
	s24 =	smov.u32 s31  }
.LBB1_14:
0xc1: {  	s25 =	sand.u32 $0x3C00, s23  }
0xc2: {  	s25 =	sadd.s32 s5, s25  }
0xc3: {  	s25 =	sand.u32 $0x3C00, s25  }
0xc4: {  	s14 =	sand.u32 $0x70, s24;
	s25 =	sadd.s32 s25, s19  }
0xc5: {  	s24 =	sadd.s32 $0x10, s24;
	s25 =	sadd.s32 s14, s25  }
0xc6: {  	p2 =	slt.s32 s24, s30;
	v1 =	vld [tilespmem:s25+$0x0]  }
.Ltmp15:
0xc7: {  	_ = 	snop;
	(pc) =	sbr.rel @p2 .LBB1_14-.Ltmp15, $2  }
0xc8: {  	_ =	sdelay $0x2  }
0xc9: {  	s23 =	sadd.s32 $0x80, s23;
	[tilespmem:v0+s14+$0x0 ss:$0x1] =	vst.idx.msk $0xffff, v1  }
.Ltmp16:
0xca: {  	_ = 	snop;
	(pc) =	sbr.rel .LBB1_15-.Ltmp16, $1  }
0xcb: {  	_ =	sdelay $0x3  }
.LBB1_20:
0xcc: {  	_ =	sfence.sel $0x180000  }
0xcd: {  	s0 =	simm.s32 $0x1;
	[bflag:$0x0] =	sbarrier.arrive $0xFFFF  }
0xce: {  	s31 =	simm.s32 $0x2;
	[sflag:s0] =	ssyncpa.u1 $0x1  }
0xcf: {  	[sflag:s31] =	ssyncpa.u1 $0x1  }
0xd0: {  	_ =	strace $0x90000047  }
0xd1: {  	[bflag:$0x2] =	sbarrier.arrive $0xFFFF  }
0xd2: {  	p0 =	sne.s32 s9, $0x0;
	s0 =	rddreg [dreg:$0x2]  }
0xd3: {  	s0 =	sadd.s32 @!p0 $0x100000, s0  }
0xd4: {  	[sflag:s0] =	ssyncadd.tile.s32 @!p0 $0x1;
	_ =	shalt  }
.Lfunc_end1:
_tile_overlayer_lowered:
.L_overlay_start_2:
0xd5: {  	(tag) =	ssettag $0x2  }
0xd6: {  	s0 =	rddreg [dreg:$0x0];
	s2 =	stileid.u32  }
0xd7: {  	s1 =	rddreg [dreg:$0x1];
	p0 =	sne.s32 s2, $0x0  }
0xd8: {  	s3 =	rddreg [dreg:$0x2];
	[bflag:$0x3] =	sbarrier.arrive $0xFFFF;
	s2 =	simm.s32 @!p0 $0x1C01  }
0xd9: {  	[timem:s3], [sflag:s2] =	dma.local @!p0 [hbm:s0], s1  }
0xda: {  	s0 =	simm.s32 @!p0 $0x1  }
0xdb: {  	_ =	swait.ge @!p0 [sflag:s0], s1  }
0xdc: {  	s1 =	ssub.s32 @!p0 $0x0, s1;
	[sflag:s0] =	ssyncset.done @!p0 $0x0  }
0xdd: {  	[sflag:s0] =	ssyncadd.s32 @!p0 s1  }
0xde: {  	[bflag:$0x3] =	sbarrier.arrive $0xFFFF  }
0xdf: {  	_ =	shalt  }

</sc_bundles>
